<compile_context>
chip_gen: v7x
topology: tpu7x:2x2x1
jax: 0.10.2.dev20260603
libtpu: 0.0.44.dev20260713+nightly
codegen_flags: <defaults>
</compile_context>

<pallas_src>
import functools

import jax
import jax.numpy as jnp
from jax import lax
from jax.experimental import pallas as pl
from jax.experimental.pallas import tpu as pltpu
from jax.experimental.pallas import tpu_sc as plsc

_POSE_NUM = 100000
_EMBED_DIM = 6
_BATCH = 16384

_info = plsc.get_sparse_core_info()
_NC, _NS = _info.num_cores, _info.num_subcores
_NW = _NC * _NS
_B_PER_W = _BATCH // _NW
_E_PER_W = _B_PER_W * _EMBED_DIM


def _make_gather():
    mesh = plsc.VectorSubcoreMesh(core_axis_name="c", subcore_axis_name="s")

    @functools.partial(
        pl.kernel,
        mesh=mesh,
        out_type=jax.ShapeDtypeStruct((_BATCH * _EMBED_DIM,), jnp.float32),
        scratch_types=[
            pltpu.VMEM((_B_PER_W,), jnp.int32),
            pltpu.VMEM((_E_PER_W,), jnp.float32),
            pltpu.SemaphoreType.DMA,
            pltpu.SemaphoreType.DMA,
        ],
        compiler_params=pltpu.CompilerParams(
            use_tc_tiling_on_sc=False, needs_layout_passes=False
        ),
    )
    def gather_kernel(idx_hbm, tab_cm_hbm, out_hbm, idx_v, vals_v, gsem, osem):
        wid = lax.axis_index("s") * _NC + lax.axis_index("c")
        base = wid * _B_PER_W
        pltpu.sync_copy(idx_hbm.at[pl.ds(base, _B_PER_W)], idx_v)

        gathers = []
        for j in range(_EMBED_DIM):
            col = tab_cm_hbm.at[pl.ds(j * _POSE_NUM, _POSE_NUM)]
            gathers.append(
                pltpu.async_copy(
                    col.at[idx_v],
                    vals_v.at[pl.ds(j * _B_PER_W, _B_PER_W)],
                    gsem,
                )
            )
        stores = []
        for j in range(_EMBED_DIM):
            gathers[j].wait()
            stores.append(
                pltpu.async_copy(
                    vals_v.at[pl.ds(j * _B_PER_W, _B_PER_W)],
                    out_hbm.at[pl.ds(j * _BATCH + base, _B_PER_W)],
                    osem,
                )
            )
        for s in stores:
            s.wait()

    return gather_kernel


_gather = _make_gather()


def kernel(indices, table):
    flat_cm = table.T.reshape(-1)
    out_cm = _gather(indices.astype(jnp.int32), flat_cm)
    return out_cm.reshape(_EMBED_DIM, _BATCH).T

# --- scband reference (transcript-rebuilt; emitter-appended) ---
"""Pipeline reference for scband-camera-pose-25288767438924 (READ-ONLY COPY).

The authoritative reference and input builder live on the scoring server;
editing this copy changes nothing except your own understanding.
"""

import jax, jax.numpy as jnp
import numpy as np

POSE_NUM = 100000
EMBED_DIM = 6
BATCH = 16384

def setup_inputs(seed: int = 0) -> dict:
    key = jax.random.key(seed)
    k_idx, k_tab = jax.random.split(key)
    indices = jax.random.randint(k_idx, (BATCH,), 0, POSE_NUM, dtype=jnp.int64 if jax.config.jax_enable_x64 else jnp.int32)
    # nn.Embedding default init: N(0, 1)
    table = jax.random.normal(k_tab, (POSE_NUM, EMBED_DIM), dtype=jnp.float32)
    return {"indices": indices, "table": table}

def reference(indices, table):
    # CameraPose forward: embedding lookup of per-frame 6-DoF pose params
    return jnp.take(table, indices, axis=0)

if __name__ == "__main__":
    import jax
    _d = setup_inputs()
    print(jax.jit(kernel)(*tuple(_d.values())))

</pallas_src>

<mosaic_0001>
#map = affine_map<(d0, d1) -> (0)>
module attributes {stable_mosaic.version = 14 : i64} {
  func.func @gather_kernel(%arg0: i32, %arg1: i32, %arg2: memref<16384xi32, #tpu.memory_space<hbm>>, %arg3: memref<600000xf32, #tpu.memory_space<hbm>>, %arg4: memref<98304xf32, #tpu.memory_space<hbm>>, %arg5: memref<512xi32, #tpu.memory_space<vmem>>, %arg6: memref<3072xf32, #tpu.memory_space<vmem>>, %arg7: memref<!tpu.dma_semaphore, #tpu.memory_space<semaphore_mem>>, %arg8: memref<!tpu.dma_semaphore, #tpu.memory_space<semaphore_mem>>) attributes {dimension_semantics = [#tpu.dimension_semantics<core_parallel>, #tpu.dimension_semantics<subcore_parallel>], iteration_bounds = array<i64: 2, 16>, scalar_prefetch = 0 : i64, scratch_operands = 4 : i64, tpu.core_type = #tpu.core_type<sc_vector_subcore>, window_params = [{transform_indices = #map}, {transform_indices = #map}, {transform_indices = #map}]} {
    %mul3A = arith.constant 2 : i32
    %mul3A_0 = arith.muli %arg1, %mul3A : i32
    %add3A = arith.addi %mul3A_0, %arg0 : i32
    %mul3A_1 = arith.constant 512 : i32
    %mul3A_2 = arith.muli %add3A, %mul3A_1 : i32
    "tpu.region"() ({
      %run_scoped3A = tpu.sem_alloc : memref<!tpu.dma_semaphore, #tpu.memory_space<semaphore_mem>>
      %dma_start3A_157 = tpu.memref_slice %arg2[%mul3A_2] : memref<16384xi32, #tpu.memory_space<hbm>> -> memref<512xi32, #tpu.memory_space<hbm>>
      %dma_start3A_158 = tpu.memref_slice %arg2[%mul3A_2] : memref<16384xi32, #tpu.memory_space<hbm>> -> memref<512xi32, #tpu.memory_space<hbm>>
      tpu.enqueue_dma source(%dma_start3A_158 : memref<512xi32, #tpu.memory_space<hbm>>) target(%arg5 : memref<512xi32, #tpu.memory_space<vmem>>) target_semaphore(%run_scoped3A : memref<!tpu.dma_semaphore, #tpu.memory_space<semaphore_mem>>)
      %dma_wait3A_159 = tpu.memref_slice %arg2[%mul3A_2] : memref<16384xi32, #tpu.memory_space<hbm>> -> memref<512xi32, #tpu.memory_space<hbm>>
      %dma_wait3A_160 = tpu.memref_slice %arg2[%mul3A_2] : memref<16384xi32, #tpu.memory_space<hbm>> -> memref<512xi32, #tpu.memory_space<hbm>>
      tpu.wait_dma2 semaphore(%run_scoped3A : memref<!tpu.dma_semaphore, #tpu.memory_space<semaphore_mem>>) src(%dma_wait3A_160 : memref<512xi32, #tpu.memory_space<hbm>>) dst(%arg5 : memref<512xi32, #tpu.memory_space<vmem>>)
      tpu.yield
    }) : () -> ()
    %dma_start3A = arith.constant 0 : i32
    %dma_start3A_3 = tpu.memref_slice %arg6[%dma_start3A] : memref<3072xf32, #tpu.memory_space<vmem>> -> memref<512xf32, #tpu.memory_space<vmem>>
    %dma_start3A_4 = arith.constant 0 : i32
    %dma_start3A_5 = tpu.memref_slice %arg3[%dma_start3A_4] : memref<600000xf32, #tpu.memory_space<hbm>> -> memref<100000xf32, #tpu.memory_space<hbm>>
    %dma_start3A_6 = arith.constant 0 : i32
    %dma_start3A_7 = tpu.memref_slice %dma_start3A_5[%dma_start3A_6] : memref<100000xf32, #tpu.memory_space<hbm>> -> memref<100000xf32, #tpu.memory_space<hbm>>
    tpu.enqueue_indirect_dma source(%dma_start3A_7 : memref<100000xf32, #tpu.memory_space<hbm>>) target(%dma_start3A_3 : memref<512xf32, #tpu.memory_space<vmem>>) offsets(%arg5 : memref<512xi32, #tpu.memory_space<vmem>>) semaphore(%arg7 : memref<!tpu.dma_semaphore, #tpu.memory_space<semaphore_mem>>)
    %dma_start3A_8 = arith.constant 512 : i32
    %dma_start3A_9 = tpu.memref_slice %arg6[%dma_start3A_8] : memref<3072xf32, #tpu.memory_space<vmem>> -> memref<512xf32, #tpu.memory_space<vmem>>
    %dma_start3A_10 = arith.constant 100000 : i32
    %dma_start3A_11 = tpu.memref_slice %arg3[%dma_start3A_10] : memref<600000xf32, #tpu.memory_space<hbm>> -> memref<100000xf32, #tpu.memory_space<hbm>>
    %dma_start3A_12 = arith.constant 0 : i32
    %dma_start3A_13 = tpu.memref_slice %dma_start3A_11[%dma_start3A_12] : memref<100000xf32, #tpu.memory_space<hbm>> -> memref<100000xf32, #tpu.memory_space<hbm>>
    tpu.enqueue_indirect_dma source(%dma_start3A_13 : memref<100000xf32, #tpu.memory_space<hbm>>) target(%dma_start3A_9 : memref<512xf32, #tpu.memory_space<vmem>>) offsets(%arg5 : memref<512xi32, #tpu.memory_space<vmem>>) semaphore(%arg7 : memref<!tpu.dma_semaphore, #tpu.memory_space<semaphore_mem>>)
    %dma_start3A_14 = arith.constant 1024 : i32
    %dma_start3A_15 = tpu.memref_slice %arg6[%dma_start3A_14] : memref<3072xf32, #tpu.memory_space<vmem>> -> memref<512xf32, #tpu.memory_space<vmem>>
    %dma_start3A_16 = arith.constant 200000 : i32
    %dma_start3A_17 = tpu.memref_slice %arg3[%dma_start3A_16] : memref<600000xf32, #tpu.memory_space<hbm>> -> memref<100000xf32, #tpu.memory_space<hbm>>
    %dma_start3A_18 = arith.constant 0 : i32
    %dma_start3A_19 = tpu.memref_slice %dma_start3A_17[%dma_start3A_18] : memref<100000xf32, #tpu.memory_space<hbm>> -> memref<100000xf32, #tpu.memory_space<hbm>>
    tpu.enqueue_indirect_dma source(%dma_start3A_19 : memref<100000xf32, #tpu.memory_space<hbm>>) target(%dma_start3A_15 : memref<512xf32, #tpu.memory_space<vmem>>) offsets(%arg5 : memref<512xi32, #tpu.memory_space<vmem>>) semaphore(%arg7 : memref<!tpu.dma_semaphore, #tpu.memory_space<semaphore_mem>>)
    %dma_start3A_20 = arith.constant 1536 : i32
    %dma_start3A_21 = tpu.memref_slice %arg6[%dma_start3A_20] : memref<3072xf32, #tpu.memory_space<vmem>> -> memref<512xf32, #tpu.memory_space<vmem>>
    %dma_start3A_22 = arith.constant 300000 : i32
    %dma_start3A_23 = tpu.memref_slice %arg3[%dma_start3A_22] : memref<600000xf32, #tpu.memory_space<hbm>> -> memref<100000xf32, #tpu.memory_space<hbm>>
    %dma_start3A_24 = arith.constant 0 : i32
    %dma_start3A_25 = tpu.memref_slice %dma_start3A_23[%dma_start3A_24] : memref<100000xf32, #tpu.memory_space<hbm>> -> memref<100000xf32, #tpu.memory_space<hbm>>
    tpu.enqueue_indirect_dma source(%dma_start3A_25 : memref<100000xf32, #tpu.memory_space<hbm>>) target(%dma_start3A_21 : memref<512xf32, #tpu.memory_space<vmem>>) offsets(%arg5 : memref<512xi32, #tpu.memory_space<vmem>>) semaphore(%arg7 : memref<!tpu.dma_semaphore, #tpu.memory_space<semaphore_mem>>)
    %dma_start3A_26 = arith.constant 2048 : i32
    %dma_start3A_27 = tpu.memref_slice %arg6[%dma_start3A_26] : memref<3072xf32, #tpu.memory_space<vmem>> -> memref<512xf32, #tpu.memory_space<vmem>>
    %dma_start3A_28 = arith.constant 400000 : i32
    %dma_start3A_29 = tpu.memref_slice %arg3[%dma_start3A_28] : memref<600000xf32, #tpu.memory_space<hbm>> -> memref<100000xf32, #tpu.memory_space<hbm>>
    %dma_start3A_30 = arith.constant 0 : i32
    %dma_start3A_31 = tpu.memref_slice %dma_start3A_29[%dma_start3A_30] : memref<100000xf32, #tpu.memory_space<hbm>> -> memref<100000xf32, #tpu.memory_space<hbm>>
    tpu.enqueue_indirect_dma source(%dma_start3A_31 : memref<100000xf32, #tpu.memory_space<hbm>>) target(%dma_start3A_27 : memref<512xf32, #tpu.memory_space<vmem>>) offsets(%arg5 : memref<512xi32, #tpu.memory_space<vmem>>) semaphore(%arg7 : memref<!tpu.dma_semaphore, #tpu.memory_space<semaphore_mem>>)
    %dma_start3A_32 = arith.constant 2560 : i32
    %dma_start3A_33 = tpu.memref_slice %arg6[%dma_start3A_32] : memref<3072xf32, #tpu.memory_space<vmem>> -> memref<512xf32, #tpu.memory_space<vmem>>
    %dma_start3A_34 = arith.constant 500000 : i32
    %dma_start3A_35 = tpu.memref_slice %arg3[%dma_start3A_34] : memref<600000xf32, #tpu.memory_space<hbm>> -> memref<100000xf32, #tpu.memory_space<hbm>>
    %dma_start3A_36 = arith.constant 0 : i32
    %dma_start3A_37 = tpu.memref_slice %dma_start3A_35[%dma_start3A_36] : memref<100000xf32, #tpu.memory_space<hbm>> -> memref<100000xf32, #tpu.memory_space<hbm>>
    tpu.enqueue_indirect_dma source(%dma_start3A_37 : memref<100000xf32, #tpu.memory_space<hbm>>) target(%dma_start3A_33 : memref<512xf32, #tpu.memory_space<vmem>>) offsets(%arg5 : memref<512xi32, #tpu.memory_space<vmem>>) semaphore(%arg7 : memref<!tpu.dma_semaphore, #tpu.memory_space<semaphore_mem>>)
    %dma_wait3A = arith.constant 0 : i32
    %dma_wait3A_38 = tpu.memref_slice %arg6[%dma_wait3A] : memref<3072xf32, #tpu.memory_space<vmem>> -> memref<512xf32, #tpu.memory_space<vmem>>
    %dma_wait3A_39 = arith.constant 0 : i32
    %dma_wait3A_40 = tpu.memref_slice %arg3[%dma_wait3A_39] : memref<600000xf32, #tpu.memory_space<hbm>> -> memref<100000xf32, #tpu.memory_space<hbm>>
    %dma_wait3A_41 = arith.constant 0 : i32
    %dma_wait3A_42 = tpu.memref_slice %dma_wait3A_40[%dma_wait3A_41] : memref<100000xf32, #tpu.memory_space<hbm>> -> memref<100000xf32, #tpu.memory_space<hbm>>
    tpu.wait_indirect_dma semaphore(%arg7 : memref<!tpu.dma_semaphore, #tpu.memory_space<semaphore_mem>>) src(%dma_wait3A_42 : memref<100000xf32, #tpu.memory_space<hbm>>) dst(%dma_wait3A_38 : memref<512xf32, #tpu.memory_space<vmem>>)
    %add3A_43 = arith.constant 0 : i32
    %add3A_44 = arith.addi %add3A_43, %mul3A_2 : i32
    %dma_start3A_45 = arith.constant 0 : i32
    %dma_start3A_46 = tpu.memref_slice %arg6[%dma_start3A_45] : memref<3072xf32, #tpu.memory_space<vmem>> -> memref<512xf32, #tpu.memory_space<vmem>>
    %dma_start3A_47 = tpu.memref_slice %arg4[%add3A_44] : memref<98304xf32, #tpu.memory_space<hbm>> -> memref<512xf32, #tpu.memory_space<hbm>>
    %dma_start3A_48 = tpu.memref_slice %arg4[%add3A_44] : memref<98304xf32, #tpu.memory_space<hbm>> -> memref<512xf32, #tpu.memory_space<hbm>>
    %dma_start3A_49 = arith.constant 0 : i32
    %dma_start3A_50 = tpu.memref_slice %arg6[%dma_start3A_49] : memref<3072xf32, #tpu.memory_space<vmem>> -> memref<512xf32, #tpu.memory_space<vmem>>
    tpu.enqueue_dma source(%dma_start3A_50 : memref<512xf32, #tpu.memory_space<vmem>>) target(%dma_start3A_48 : memref<512xf32, #tpu.memory_space<hbm>>) target_semaphore(%arg8 : memref<!tpu.dma_semaphore, #tpu.memory_space<semaphore_mem>>)
    %dma_wait3A_51 = arith.constant 512 : i32
    %dma_wait3A_52 = tpu.memref_slice %arg6[%dma_wait3A_51] : memref<3072xf32, #tpu.memory_space<vmem>> -> memref<512xf32, #tpu.memory_space<vmem>>
    %dma_wait3A_53 = arith.constant 100000 : i32
    %dma_wait3A_54 = tpu.memref_slice %arg3[%dma_wait3A_53] : memref<600000xf32, #tpu.memory_space<hbm>> -> memref<100000xf32, #tpu.memory_space<hbm>>
    %dma_wait3A_55 = arith.constant 0 : i32
    %dma_wait3A_56 = tpu.memref_slice %dma_wait3A_54[%dma_wait3A_55] : memref<100000xf32, #tpu.memory_space<hbm>> -> memref<100000xf32, #tpu.memory_space<hbm>>
    tpu.wait_indirect_dma semaphore(%arg7 : memref<!tpu.dma_semaphore, #tpu.memory_space<semaphore_mem>>) src(%dma_wait3A_56 : memref<100000xf32, #tpu.memory_space<hbm>>) dst(%dma_wait3A_52 : memref<512xf32, #tpu.memory_space<vmem>>)
    %add3A_57 = arith.constant 16384 : i32
    %add3A_58 = arith.addi %add3A_57, %mul3A_2 : i32
    %dma_start3A_59 = arith.constant 512 : i32
    %dma_start3A_60 = tpu.memref_slice %arg6[%dma_start3A_59] : memref<3072xf32, #tpu.memory_space<vmem>> -> memref<512xf32, #tpu.memory_space<vmem>>
    %dma_start3A_61 = tpu.memref_slice %arg4[%add3A_58] : memref<98304xf32, #tpu.memory_space<hbm>> -> memref<512xf32, #tpu.memory_space<hbm>>
    %dma_start3A_62 = tpu.memref_slice %arg4[%add3A_58] : memref<98304xf32, #tpu.memory_space<hbm>> -> memref<512xf32, #tpu.memory_space<hbm>>
    %dma_start3A_63 = arith.constant 512 : i32
    %dma_start3A_64 = tpu.memref_slice %arg6[%dma_start3A_63] : memref<3072xf32, #tpu.memory_space<vmem>> -> memref<512xf32, #tpu.memory_space<vmem>>
    tpu.enqueue_dma source(%dma_start3A_64 : memref<512xf32, #tpu.memory_space<vmem>>) target(%dma_start3A_62 : memref<512xf32, #tpu.memory_space<hbm>>) target_semaphore(%arg8 : memref<!tpu.dma_semaphore, #tpu.memory_space<semaphore_mem>>)
    %dma_wait3A_65 = arith.constant 1024 : i32
    %dma_wait3A_66 = tpu.memref_slice %arg6[%dma_wait3A_65] : memref<3072xf32, #tpu.memory_space<vmem>> -> memref<512xf32, #tpu.memory_space<vmem>>
    %dma_wait3A_67 = arith.constant 200000 : i32
    %dma_wait3A_68 = tpu.memref_slice %arg3[%dma_wait3A_67] : memref<600000xf32, #tpu.memory_space<hbm>> -> memref<100000xf32, #tpu.memory_space<hbm>>
    %dma_wait3A_69 = arith.constant 0 : i32
    %dma_wait3A_70 = tpu.memref_slice %dma_wait3A_68[%dma_wait3A_69] : memref<100000xf32, #tpu.memory_space<hbm>> -> memref<100000xf32, #tpu.memory_space<hbm>>
    tpu.wait_indirect_dma semaphore(%arg7 : memref<!tpu.dma_semaphore, #tpu.memory_space<semaphore_mem>>) src(%dma_wait3A_70 : memref<100000xf32, #tpu.memory_space<hbm>>) dst(%dma_wait3A_66 : memref<512xf32, #tpu.memory_space<vmem>>)
    %add3A_71 = arith.constant 32768 : i32
    %add3A_72 = arith.addi %add3A_71, %mul3A_2 : i32
    %dma_start3A_73 = arith.constant 1024 : i32
    %dma_start3A_74 = tpu.memref_slice %arg6[%dma_start3A_73] : memref<3072xf32, #tpu.memory_space<vmem>> -> memref<512xf32, #tpu.memory_space<vmem>>
    %dma_start3A_75 = tpu.memref_slice %arg4[%add3A_72] : memref<98304xf32, #tpu.memory_space<hbm>> -> memref<512xf32, #tpu.memory_space<hbm>>
    %dma_start3A_76 = tpu.memref_slice %arg4[%add3A_72] : memref<98304xf32, #tpu.memory_space<hbm>> -> memref<512xf32, #tpu.memory_space<hbm>>
    %dma_start3A_77 = arith.constant 1024 : i32
    %dma_start3A_78 = tpu.memref_slice %arg6[%dma_start3A_77] : memref<3072xf32, #tpu.memory_space<vmem>> -> memref<512xf32, #tpu.memory_space<vmem>>
    tpu.enqueue_dma source(%dma_start3A_78 : memref<512xf32, #tpu.memory_space<vmem>>) target(%dma_start3A_76 : memref<512xf32, #tpu.memory_space<hbm>>) target_semaphore(%arg8 : memref<!tpu.dma_semaphore, #tpu.memory_space<semaphore_mem>>)
    %dma_wait3A_79 = arith.constant 1536 : i32
    %dma_wait3A_80 = tpu.memref_slice %arg6[%dma_wait3A_79] : memref<3072xf32, #tpu.memory_space<vmem>> -> memref<512xf32, #tpu.memory_space<vmem>>
    %dma_wait3A_81 = arith.constant 300000 : i32
    %dma_wait3A_82 = tpu.memref_slice %arg3[%dma_wait3A_81] : memref<600000xf32, #tpu.memory_space<hbm>> -> memref<100000xf32, #tpu.memory_space<hbm>>
    %dma_wait3A_83 = arith.constant 0 : i32
    %dma_wait3A_84 = tpu.memref_slice %dma_wait3A_82[%dma_wait3A_83] : memref<100000xf32, #tpu.memory_space<hbm>> -> memref<100000xf32, #tpu.memory_space<hbm>>
    tpu.wait_indirect_dma semaphore(%arg7 : memref<!tpu.dma_semaphore, #tpu.memory_space<semaphore_mem>>) src(%dma_wait3A_84 : memref<100000xf32, #tpu.memory_space<hbm>>) dst(%dma_wait3A_80 : memref<512xf32, #tpu.memory_space<vmem>>)
    %add3A_85 = arith.constant 49152 : i32
    %add3A_86 = arith.addi %add3A_85, %mul3A_2 : i32
    %dma_start3A_87 = arith.constant 1536 : i32
    %dma_start3A_88 = tpu.memref_slice %arg6[%dma_start3A_87] : memref<3072xf32, #tpu.memory_space<vmem>> -> memref<512xf32, #tpu.memory_space<vmem>>
    %dma_start3A_89 = tpu.memref_slice %arg4[%add3A_86] : memref<98304xf32, #tpu.memory_space<hbm>> -> memref<512xf32, #tpu.memory_space<hbm>>
    %dma_start3A_90 = tpu.memref_slice %arg4[%add3A_86] : memref<98304xf32, #tpu.memory_space<hbm>> -> memref<512xf32, #tpu.memory_space<hbm>>
    %dma_start3A_91 = arith.constant 1536 : i32
    %dma_start3A_92 = tpu.memref_slice %arg6[%dma_start3A_91] : memref<3072xf32, #tpu.memory_space<vmem>> -> memref<512xf32, #tpu.memory_space<vmem>>
    tpu.enqueue_dma source(%dma_start3A_92 : memref<512xf32, #tpu.memory_space<vmem>>) target(%dma_start3A_90 : memref<512xf32, #tpu.memory_space<hbm>>) target_semaphore(%arg8 : memref<!tpu.dma_semaphore, #tpu.memory_space<semaphore_mem>>)
    %dma_wait3A_93 = arith.constant 2048 : i32
    %dma_wait3A_94 = tpu.memref_slice %arg6[%dma_wait3A_93] : memref<3072xf32, #tpu.memory_space<vmem>> -> memref<512xf32, #tpu.memory_space<vmem>>
    %dma_wait3A_95 = arith.constant 400000 : i32
    %dma_wait3A_96 = tpu.memref_slice %arg3[%dma_wait3A_95] : memref<600000xf32, #tpu.memory_space<hbm>> -> memref<100000xf32, #tpu.memory_space<hbm>>
    %dma_wait3A_97 = arith.constant 0 : i32
    %dma_wait3A_98 = tpu.memref_slice %dma_wait3A_96[%dma_wait3A_97] : memref<100000xf32, #tpu.memory_space<hbm>> -> memref<100000xf32, #tpu.memory_space<hbm>>
    tpu.wait_indirect_dma semaphore(%arg7 : memref<!tpu.dma_semaphore, #tpu.memory_space<semaphore_mem>>) src(%dma_wait3A_98 : memref<100000xf32, #tpu.memory_space<hbm>>) dst(%dma_wait3A_94 : memref<512xf32, #tpu.memory_space<vmem>>)
    %add3A_99 = arith.constant 65536 : i32
    %add3A_100 = arith.addi %add3A_99, %mul3A_2 : i32
    %dma_start3A_101 = arith.constant 2048 : i32
    %dma_start3A_102 = tpu.memref_slice %arg6[%dma_start3A_101] : memref<3072xf32, #tpu.memory_space<vmem>> -> memref<512xf32, #tpu.memory_space<vmem>>
    %dma_start3A_103 = tpu.memref_slice %arg4[%add3A_100] : memref<98304xf32, #tpu.memory_space<hbm>> -> memref<512xf32, #tpu.memory_space<hbm>>
    %dma_start3A_104 = tpu.memref_slice %arg4[%add3A_100] : memref<98304xf32, #tpu.memory_space<hbm>> -> memref<512xf32, #tpu.memory_space<hbm>>
    %dma_start3A_105 = arith.constant 2048 : i32
    %dma_start3A_106 = tpu.memref_slice %arg6[%dma_start3A_105] : memref<3072xf32, #tpu.memory_space<vmem>> -> memref<512xf32, #tpu.memory_space<vmem>>
    tpu.enqueue_dma source(%dma_start3A_106 : memref<512xf32, #tpu.memory_space<vmem>>) target(%dma_start3A_104 : memref<512xf32, #tpu.memory_space<hbm>>) target_semaphore(%arg8 : memref<!tpu.dma_semaphore, #tpu.memory_space<semaphore_mem>>)
    %dma_wait3A_107 = arith.constant 2560 : i32
    %dma_wait3A_108 = tpu.memref_slice %arg6[%dma_wait3A_107] : memref<3072xf32, #tpu.memory_space<vmem>> -> memref<512xf32, #tpu.memory_space<vmem>>
    %dma_wait3A_109 = arith.constant 500000 : i32
    %dma_wait3A_110 = tpu.memref_slice %arg3[%dma_wait3A_109] : memref<600000xf32, #tpu.memory_space<hbm>> -> memref<100000xf32, #tpu.memory_space<hbm>>
    %dma_wait3A_111 = arith.constant 0 : i32
    %dma_wait3A_112 = tpu.memref_slice %dma_wait3A_110[%dma_wait3A_111] : memref<100000xf32, #tpu.memory_space<hbm>> -> memref<100000xf32, #tpu.memory_space<hbm>>
    tpu.wait_indirect_dma semaphore(%arg7 : memref<!tpu.dma_semaphore, #tpu.memory_space<semaphore_mem>>) src(%dma_wait3A_112 : memref<100000xf32, #tpu.memory_space<hbm>>) dst(%dma_wait3A_108 : memref<512xf32, #tpu.memory_space<vmem>>)
    %add3A_113 = arith.constant 81920 : i32
    %add3A_114 = arith.addi %add3A_113, %mul3A_2 : i32
    %dma_start3A_115 = arith.constant 2560 : i32
    %dma_start3A_116 = tpu.memref_slice %arg6[%dma_start3A_115] : memref<3072xf32, #tpu.memory_space<vmem>> -> memref<512xf32, #tpu.memory_space<vmem>>
    %dma_start3A_117 = tpu.memref_slice %arg4[%add3A_114] : memref<98304xf32, #tpu.memory_space<hbm>> -> memref<512xf32, #tpu.memory_space<hbm>>
    %dma_start3A_118 = tpu.memref_slice %arg4[%add3A_114] : memref<98304xf32, #tpu.memory_space<hbm>> -> memref<512xf32, #tpu.memory_space<hbm>>
    %dma_start3A_119 = arith.constant 2560 : i32
    %dma_start3A_120 = tpu.memref_slice %arg6[%dma_start3A_119] : memref<3072xf32, #tpu.memory_space<vmem>> -> memref<512xf32, #tpu.memory_space<vmem>>
    tpu.enqueue_dma source(%dma_start3A_120 : memref<512xf32, #tpu.memory_space<vmem>>) target(%dma_start3A_118 : memref<512xf32, #tpu.memory_space<hbm>>) target_semaphore(%arg8 : memref<!tpu.dma_semaphore, #tpu.memory_space<semaphore_mem>>)
    %dma_wait3A_121 = arith.constant 0 : i32
    %dma_wait3A_122 = tpu.memref_slice %arg6[%dma_wait3A_121] : memref<3072xf32, #tpu.memory_space<vmem>> -> memref<512xf32, #tpu.memory_space<vmem>>
    %dma_wait3A_123 = tpu.memref_slice %arg4[%add3A_44] : memref<98304xf32, #tpu.memory_space<hbm>> -> memref<512xf32, #tpu.memory_space<hbm>>
    %dma_wait3A_124 = tpu.memref_slice %arg4[%add3A_44] : memref<98304xf32, #tpu.memory_space<hbm>> -> memref<512xf32, #tpu.memory_space<hbm>>
    %dma_wait3A_125 = arith.constant 0 : i32
    %dma_wait3A_126 = tpu.memref_slice %arg6[%dma_wait3A_125] : memref<3072xf32, #tpu.memory_space<vmem>> -> memref<512xf32, #tpu.memory_space<vmem>>
    tpu.wait_dma2 semaphore(%arg8 : memref<!tpu.dma_semaphore, #tpu.memory_space<semaphore_mem>>) src(%dma_wait3A_126 : memref<512xf32, #tpu.memory_space<vmem>>) dst(%dma_wait3A_124 : memref<512xf32, #tpu.memory_space<hbm>>)
    %dma_wait3A_127 = arith.constant 512 : i32
    %dma_wait3A_128 = tpu.memref_slice %arg6[%dma_wait3A_127] : memref<3072xf32, #tpu.memory_space<vmem>> -> memref<512xf32, #tpu.memory_space<vmem>>
    %dma_wait3A_129 = tpu.memref_slice %arg4[%add3A_58] : memref<98304xf32, #tpu.memory_space<hbm>> -> memref<512xf32, #tpu.memory_space<hbm>>
    %dma_wait3A_130 = tpu.memref_slice %arg4[%add3A_58] : memref<98304xf32, #tpu.memory_space<hbm>> -> memref<512xf32, #tpu.memory_space<hbm>>
    %dma_wait3A_131 = arith.constant 512 : i32
    %dma_wait3A_132 = tpu.memref_slice %arg6[%dma_wait3A_131] : memref<3072xf32, #tpu.memory_space<vmem>> -> memref<512xf32, #tpu.memory_space<vmem>>
    tpu.wait_dma2 semaphore(%arg8 : memref<!tpu.dma_semaphore, #tpu.memory_space<semaphore_mem>>) src(%dma_wait3A_132 : memref<512xf32, #tpu.memory_space<vmem>>) dst(%dma_wait3A_130 : memref<512xf32, #tpu.memory_space<hbm>>)
    %dma_wait3A_133 = arith.constant 1024 : i32
    %dma_wait3A_134 = tpu.memref_slice %arg6[%dma_wait3A_133] : memref<3072xf32, #tpu.memory_space<vmem>> -> memref<512xf32, #tpu.memory_space<vmem>>
    %dma_wait3A_135 = tpu.memref_slice %arg4[%add3A_72] : memref<98304xf32, #tpu.memory_space<hbm>> -> memref<512xf32, #tpu.memory_space<hbm>>
    %dma_wait3A_136 = tpu.memref_slice %arg4[%add3A_72] : memref<98304xf32, #tpu.memory_space<hbm>> -> memref<512xf32, #tpu.memory_space<hbm>>
    %dma_wait3A_137 = arith.constant 1024 : i32
    %dma_wait3A_138 = tpu.memref_slice %arg6[%dma_wait3A_137] : memref<3072xf32, #tpu.memory_space<vmem>> -> memref<512xf32, #tpu.memory_space<vmem>>
    tpu.wait_dma2 semaphore(%arg8 : memref<!tpu.dma_semaphore, #tpu.memory_space<semaphore_mem>>) src(%dma_wait3A_138 : memref<512xf32, #tpu.memory_space<vmem>>) dst(%dma_wait3A_136 : memref<512xf32, #tpu.memory_space<hbm>>)
    %dma_wait3A_139 = arith.constant 1536 : i32
    %dma_wait3A_140 = tpu.memref_slice %arg6[%dma_wait3A_139] : memref<3072xf32, #tpu.memory_space<vmem>> -> memref<512xf32, #tpu.memory_space<vmem>>
    %dma_wait3A_141 = tpu.memref_slice %arg4[%add3A_86] : memref<98304xf32, #tpu.memory_space<hbm>> -> memref<512xf32, #tpu.memory_space<hbm>>
    %dma_wait3A_142 = tpu.memref_slice %arg4[%add3A_86] : memref<98304xf32, #tpu.memory_space<hbm>> -> memref<512xf32, #tpu.memory_space<hbm>>
    %dma_wait3A_143 = arith.constant 1536 : i32
    %dma_wait3A_144 = tpu.memref_slice %arg6[%dma_wait3A_143] : memref<3072xf32, #tpu.memory_space<vmem>> -> memref<512xf32, #tpu.memory_space<vmem>>
    tpu.wait_dma2 semaphore(%arg8 : memref<!tpu.dma_semaphore, #tpu.memory_space<semaphore_mem>>) src(%dma_wait3A_144 : memref<512xf32, #tpu.memory_space<vmem>>) dst(%dma_wait3A_142 : memref<512xf32, #tpu.memory_space<hbm>>)
    %dma_wait3A_145 = arith.constant 2048 : i32
    %dma_wait3A_146 = tpu.memref_slice %arg6[%dma_wait3A_145] : memref<3072xf32, #tpu.memory_space<vmem>> -> memref<512xf32, #tpu.memory_space<vmem>>
    %dma_wait3A_147 = tpu.memref_slice %arg4[%add3A_100] : memref<98304xf32, #tpu.memory_space<hbm>> -> memref<512xf32, #tpu.memory_space<hbm>>
    %dma_wait3A_148 = tpu.memref_slice %arg4[%add3A_100] : memref<98304xf32, #tpu.memory_space<hbm>> -> memref<512xf32, #tpu.memory_space<hbm>>
    %dma_wait3A_149 = arith.constant 2048 : i32
    %dma_wait3A_150 = tpu.memref_slice %arg6[%dma_wait3A_149] : memref<3072xf32, #tpu.memory_space<vmem>> -> memref<512xf32, #tpu.memory_space<vmem>>
    tpu.wait_dma2 semaphore(%arg8 : memref<!tpu.dma_semaphore, #tpu.memory_space<semaphore_mem>>) src(%dma_wait3A_150 : memref<512xf32, #tpu.memory_space<vmem>>) dst(%dma_wait3A_148 : memref<512xf32, #tpu.memory_space<hbm>>)
    %dma_wait3A_151 = arith.constant 2560 : i32
    %dma_wait3A_152 = tpu.memref_slice %arg6[%dma_wait3A_151] : memref<3072xf32, #tpu.memory_space<vmem>> -> memref<512xf32, #tpu.memory_space<vmem>>
    %dma_wait3A_153 = tpu.memref_slice %arg4[%add3A_114] : memref<98304xf32, #tpu.memory_space<hbm>> -> memref<512xf32, #tpu.memory_space<hbm>>
    %dma_wait3A_154 = tpu.memref_slice %arg4[%add3A_114] : memref<98304xf32, #tpu.memory_space<hbm>> -> memref<512xf32, #tpu.memory_space<hbm>>
    %dma_wait3A_155 = arith.constant 2560 : i32
    %dma_wait3A_156 = tpu.memref_slice %arg6[%dma_wait3A_155] : memref<3072xf32, #tpu.memory_space<vmem>> -> memref<512xf32, #tpu.memory_space<vmem>>
    tpu.wait_dma2 semaphore(%arg8 : memref<!tpu.dma_semaphore, #tpu.memory_space<semaphore_mem>>) src(%dma_wait3A_156 : memref<512xf32, #tpu.memory_space<vmem>>) dst(%dma_wait3A_154 : memref<512xf32, #tpu.memory_space<hbm>>)
    return
  }
}

</mosaic_0001>

<sc_bundles>
// kernel: kernel.3.cloned.1.call-start
scs
__scs_entry_jumppad:
0x0: {  	(pc) =	sbr.rel $0x88, $3  }
0x1: {  	(tag) =	ssettag $0x0;
	lr =	simm.s32 $0x1  }
0x2: {  	[smem:$0x3F9F] =	sst lr;
	_ =	strace $0xD0000000  }
0x3: {  	_ = 	snop  }
0x4: {  	_ = 	snop  }
0x5: {  	_ = 	snop  }
0x6: {  	_ = 	snop  }
0x7: {  	_ = 	snop  }
__scs_overlays_trampoline_lowered:
0x8: {  	[smem:$0x3FAE] =	sst s0  }
0x9: {  	[smem:$0x3FAF] =	sst s1  }
0xa: {  	[smem:$0x3FB0] =	sst s2  }
0xb: {  	[smem:$0x3FB1] =	sst s3  }
0xc: {  	[smem:$0x3FB2] =	sst s4  }
0xd: {  	[smem:$0x3FB3] =	sst s5  }
0xe: {  	[smem:$0x3FB4] =	sst s6  }
0xf: {  	[smem:$0x3FB5] =	sst s7  }
0x10: {  	[smem:$0x3FB6] =	sst s8  }
0x11: {  	[smem:$0x3FB7] =	sst s9;
	s0 =	simm.s32 @!p0 $0x0  }
0x12: {  	s1 =	sld [smem:$0x3F9D];
	s0 =	simm.s32 @p0 $0x1  }
0x13: {  	[smem:$0x3FB8] =	sst s0;
	s0 =	simm.s32 @!p1 $0x0  }
0x14: {  	s2 =	sld [smem:$0x3F9C];
	s0 =	simm.s32 @p1 $0x1  }
0x15: {  	[smem:$0x3FB9] =	sst s0;
	s0 =	simm.s32 @!p2 $0x0  }
0x16: {  	s3 =	sld [smem:$0x3FDB];
	s0 =	simm.s32 @p2 $0x1  }
0x17: {  	s4 =	simm.s32 $0x1BF5;
	[smem:$0x3FBB] =	sst s0  }
0x18: {  	s0 =	sld [smem:$0x3F9E];
	_ =	swait.ge [sflag:s4], $0x0  }
0x19: {  	s7 =	sld [smem:$0x3F9F]  }
0x1a: {  	s8 =	sadd.s32 $0xFFFFE003, lr  }
0x1b: {  	s9 =	sadd.s32 $0xFFFFFEF7, lr;
	s5 =	simm.s32 $0xFFFFFFFF;
	p2 =	slt.u32 s8, $0xFFFFF086  }
0x1c: {  	p1 =	slt.u32 s9, $0xF7A;
	s5 =	simm.s32 @!p2 $0x0  }
0x1d: {  	s5 =	simm.s32 @p1 $0x1;
	p0 =	seq.s32 s7, s2  }
0x1e: {  	s7 =	smul.u32 @!p0 $0xF7A, s2;
	p2 =	seq.s32 @!p0 s5, $0x0  }
0x1f: {  	s9 =	smul.u32 $0xF7A, s1;
	s8 =	simm.s32 @!p0 $0x1BF5;
	p2 =	por !p2, p0  }
0x20: {  	[sflag:s8] =	ssyncset.s32 @!p0 $0xFFFFF086;
	s6 =	sadd.s32 @!p0 s3, s7;
	s7 =	simm.s32 @!p0 $0x108  }
0x21: {  	s3 =	sadd.s32 s3, s9;
	s6 =	sadd.s32 @!p0 $0x88, s6;
	s7 =	simm.s32 @p2 $0x1082  }
0x22: {  	[simem:s7], [sflag:s8] =	dma.local @!p0 [hbm:s6], $0xF7A  }
0x23: {  	s9 =	sor.u32 $0xD0000000, s2;
	s6 =	simm.s32 $0x108;
	_ =	swait.ge @!p0 [sflag:s8], $0x0  }
0x24: {  	s3 =	sadd.s32 $0x88, s3;
	s6 =	simm.s32 @!p1 $0x1082;
	[sflag:s4] =	ssyncset.s32 $0xFFFFF086  }
0x25: {  	[simem:s6], [sflag:s4] =	dma.local [hbm:s3], $0xF7A  }
0x26: {  	[smem:$0x3F9F] =	sst s1;
	(tag) =	ssettag s2;
	_ =	strace s9  }
0x27: {  	s1 =	sld [smem:$0x3FAF]  }
0x28: {  	s2 =	sld [smem:$0x3FB0]  }
0x29: {  	s4 =	sld [smem:$0x3FB2]  }
0x2a: {  	p0 =	seq.s32 s5, $0x0;
	s5 =	sld [smem:$0x3FB3]  }
0x2b: {  	s6 =	sld [smem:$0x3FB4]  }
0x2c: {  	s7 =	sld [smem:$0x3FB5]  }
0x2d: {  	s3 =	simm.s32 $0x108;
	s8 =	sld [smem:$0x3FB6]  }
0x2e: {  	s3 =	simm.s32 @!p0 $0x1082;
	s9 =	sld [smem:$0x3FB7]  }
0x2f: {  	lr =	sadd.s32 s0, s3;
	s0 =	sld [smem:$0x3FAE]  }
0x30: {  	s3 =	sld [smem:$0x3FB1]  }
0x31: {  	[smem:$0x3FBA] =	sst s10  }
0x32: {  	s10 =	sld [smem:$0x3FB8];
	_ =	sdelay $0x3  }
0x33: {  	p0 =	seq.s32 s10, $0x1;
	s10 =	sld [smem:$0x3FBA];
	_ =	sdelay $0x3  }
0x34: {  	[smem:$0x3FBA] =	sst s10  }
0x35: {  	s10 =	sld [smem:$0x3FB9];
	_ =	sdelay $0x3  }
0x36: {  	p1 =	seq.s32 s10, $0x1;
	s10 =	sld [smem:$0x3FBA];
	_ =	sdelay $0x3  }
0x37: {  	[smem:$0x3FBA] =	sst s10  }
0x38: {  	s10 =	sld [smem:$0x3FBB]  }
0x39: {  	_ = 	snop;
	(pc) =	sbr.ind lr, $3  }
0x3a: {  	_ = 	snop  }
0x3b: {  	_ = 	snop  }
0x3c: {  	p2 =	seq.s32 s10, $0x1;
	s10 =	sld [smem:$0x3FBA]  }
0x3d: {  	_ =	shalt  }
0x3e: {  	_ =	shalt  }
0x3f: {  	_ =	shalt  }
0x40: {  	_ =	shalt  }
0x41: {  	_ =	shalt  }
0x42: {  	_ =	shalt  }
0x43: {  	_ =	shalt  }
0x44: {  	_ =	shalt  }
0x45: {  	_ =	shalt  }
0x46: {  	_ =	shalt  }
0x47: {  	_ =	shalt  }
0x48: {  	_ =	shalt  }
0x49: {  	_ =	shalt  }
0x4a: {  	_ =	shalt  }
0x4b: {  	_ =	shalt  }
0x4c: {  	_ =	shalt  }
0x4d: {  	_ =	shalt  }
0x4e: {  	_ =	shalt  }
0x4f: {  	_ =	shalt  }
0x50: {  	_ =	shalt  }
0x51: {  	_ =	shalt  }
0x52: {  	_ =	shalt  }
0x53: {  	_ =	shalt  }
0x54: {  	_ =	shalt  }
0x55: {  	_ =	shalt  }
0x56: {  	_ =	shalt  }
0x57: {  	_ =	shalt  }
0x58: {  	_ =	shalt  }
0x59: {  	_ =	shalt  }
0x5a: {  	_ =	shalt  }
0x5b: {  	_ =	shalt  }
0x5c: {  	_ =	shalt  }
0x5d: {  	_ =	shalt  }
0x5e: {  	_ =	shalt  }
0x5f: {  	_ =	shalt  }
0x60: {  	_ =	shalt  }
0x61: {  	_ =	shalt  }
0x62: {  	_ =	shalt  }
0x63: {  	_ =	shalt  }
0x64: {  	_ =	shalt  }
0x65: {  	_ =	shalt  }
0x66: {  	_ =	shalt  }
0x67: {  	_ =	shalt  }
0x68: {  	_ =	shalt  }
0x69: {  	_ =	shalt  }
0x6a: {  	_ =	shalt  }
0x6b: {  	_ =	shalt  }
0x6c: {  	_ =	shalt  }
0x6d: {  	_ =	shalt  }
0x6e: {  	_ =	shalt  }
0x6f: {  	_ =	shalt  }
0x70: {  	_ =	shalt  }
0x71: {  	_ =	shalt  }
0x72: {  	_ =	shalt  }
0x73: {  	_ =	shalt  }
0x74: {  	_ =	shalt  }
0x75: {  	_ =	shalt  }
0x76: {  	_ =	shalt  }
0x77: {  	_ =	shalt  }
0x78: {  	_ =	shalt  }
0x79: {  	_ =	shalt  }
0x7a: {  	_ =	shalt  }
0x7b: {  	_ =	shalt  }
0x7c: {  	_ =	shalt  }
0x7d: {  	_ =	shalt  }
0x7e: {  	_ =	shalt  }
0x7f: {  	_ =	shalt  }
0x80: {  	_ =	shalt  }
0x81: {  	_ =	shalt  }
0x82: {  	_ =	shalt  }
0x83: {  	_ =	shalt  }
0x84: {  	_ =	shalt  }
0x85: {  	_ =	shalt  }
0x86: {  	_ =	shalt  }
0x87: {  	_ =	shalt  }
.Lfunc_end0:
.L_simem_size_0:
called_computation_lowered:
.L_overlay_start_0:
0x88: {  	s2 =	sld [smem:$0x3FD9]  }
0x89: {  	s3 =	sld [smem:$0x3FFE];
	_ =	sdelay $0x1  }
0x8a: {  	s1 =	srdreg.scid  }
0x8b: {  	s0 =	sand.u32 $0x1, s1  }
0x8c: {  	s17 =	sshll.u32 s0, $0xA;
	s2 =	sadd.s32 s3, s2  }
0x8d: {  	s2 =	sadd.s32 s2, s17  }
0x8e: {  	[smem:$0x3FC6] =	sst s2  }
0x8f: {  	_ = 	snop  }
0x90: {  	s2 =	sld [smem:$0x3FC9];
	(tm) =	ssettm $0x1  }
0x91: {  	s18 =	sld [smem:$0x3FFB];
	_ =	sdelay $0x3  }
0x92: {  	_ =	strace s18  }
0x93: {  	s3 =	sld [smem:$0x3FFC];
	_ =	sdelay $0x3  }
0x94: {  	_ =	strace s3  }
0x95: {  	s3 =	sld [smem:$0x3FFD];
	_ =	sdelay $0x3  }
0x96: {  	_ =	strace s3  }
0x97: {  	_ =	strace $0x8FFFFFFF  }
0x98: {  	s19 =	sld [smem:$0x3FDB];
	_ =	sdelay $0x1  }
0x99: {  	s4 =	simm.s32 $_scs_section_size  }
0x9a: {  	s5 =	simm.s32 $_size__tile_overlayer_lowered;
	s6 =	simm.s32 $_tile_overlayer_lowered  }
0x9b: {  	s22 =	simm.s32 $0x1BFF;
	s21 =	sshll.u32 s6, $0x1;
	s3 =	sadd.s32 s4, s19  }
0x9c: {  	s7 =	simm.s32 $0x0;
	s20 =	sshll.u32 s5, $0x1;
	s5 =	sadd.s32 s21, s3  }
0x9d: {  	[timem:s7], [sflag:s22] =	dma.local [hbm:s5], s20  }
0x9e: {  	_ =	swait.ge [sflag:s22], s20  }
0x9f: {  	s4 =	ssub.s32 $0x0, s20;
	[sflag:s22] =	ssyncset.done $0x0  }
0xa0: {  	[sflag:s22] =	ssyncadd.s32 s4;
	_ =	sdelay $0x1  }
0xa1: {  	s23 =	simm.s32 $0x1B8B  }
0xa2: {  	_ =	swait.ge [sflag:s23], $0x1  }
0xa3: {  	[sflag:s23] =	ssyncset.done $0x0  }
0xa4: {  	s25 =	simm.s32 $0x1B8E;
	s24 =	sld [smem:$0x3FFE];
	[sflag:s23] =	ssyncadd.s32 $0xFFFFFFFF  }
0xa5: {  	s26 =	simm.s32 $execute0_lowered;
	[smem:$0x3FD2] =	sst s25  }
0xa6: {  	s5 =	sshll.u32 s26, $0x1;
	_ =	strace $0x80000046;
	[dreg:$0x1] =	wrdreg $0xFFFFFFFF  }
0xa7: {  	s28 =	simm.s32 $_size_execute0_lowered;
	s3 =	sadd.s32 s3, s5;
	[dreg:$0x0] =	wrdreg $0x0  }
0xa8: {  	s5 =	sshll.u32 s28, $0x1;
	[dreg:$0x2] =	wrdreg s3  }
0xa9: {  	[dreg:$0x3] =	wrdreg s5  }
0xaa: {  	[dreg:$0x4] =	wrdreg $0xC0  }
0xab: {  	_ =	task [dreg:s7], $0x5FFFF  }
0xac: {  	[dreg:$0x1] =	wrdreg $0xFFFFFFFF  }
0xad: {  	[dreg:$0x0] =	wrdreg $0x60  }
0xae: {  	[dreg:$0x2] =	wrdreg s2  }
0xaf: {  	[dreg:$0x3] =	wrdreg s24  }
0xb0: {  	[dreg:$0x4] =	wrdreg $0x9  }
0xb1: {  	_ =	task.clear_ibuf [dreg:s7], $0x5FFFF;
	_ =	strace $0x90000046  }
0xb2: {  	s29 =	simm.s32 $0x9;
	_ =	strace $0x80000048  }
0xb3: {  	_ =	swait.ge [sflag:s29], $0x1  }
0xb4: {  	[sflag:s29] =	ssyncadd.s32 $0xFFFFFFFF  }
0xb5: {  	_ =	strace $0x90000048  }
0xb6: {  	_ =	sfence  }
0xb7: {  	s30 =	sld [smem:$0x0];
	_ =	sdelay $0x2  }
0xb8: {  	s31 =	sshll.u32 s1, $0xD;
	s1 =	sshrl.u32 s1, $0x2  }
0xb9: {  	s3 =	sand.u32 $0x4000, s31;
	s1 =	sadd.s32 s1, s30  }
0xba: {  	s0 =	sor.u32 s3, s0;
	s1 =	sshll.u32 s1, $0x11  }
0xbb: {  	s0 =	sor.u32 s1, s0  }
0xbc: {  	s0 =	sadd.s32 $0x8F2B, s0  }
0xbd: {  	[sflag:s0] =	ssyncadd.remote.s32 $0x1  }
0xbe: {  	_ =	sfence.sel $0xFFFF  }
0xbf: {  	[dreg:$0x0] =	wrdreg $0xFFFFFFFF;
	(pc) =	sbr.abs _section_cstart, $3  }
0xc0: {  	[dreg:$0x1] =	wrdreg $0xFFFFFFFF  }
0xc1: {  	_ =	task.clear_ibuf [dreg:s7], $0x2FFFF;
	_ =	strace $0x9FFFFFFF  }
0xc2: {  	(tm) =	ssettm $0x7FFFFFFF  }
0xc3: {  	_ =	shalt  }
tec
execute0_lowered:
.L_overlay_start_1:
0x0: {  	(tag) =	ssettag $0x1  }
0x1: {  	s3 =	rddreg [dreg:$0x0]  }
0x2: {  	s18 =	rddreg [dreg:$0x1];
	s2 =	srdreg.scid  }
0x3: {  	s0 =	rddreg [dreg:$0x2];
	s1 =	stileid.u32;
	s25 =	sand.u32 $0x1, s2  }
0x4: {  	s2 =	simm.s32 $0x0;
	s4 =	sshll.u32 s1, $0x7;
	s5 =	sshll.u32 s25, $0x6  }
0x5: {  	[smem:$0x7FF] =	sst s2;
	s19 =	sor.u32 s5, s4  }
0x6: {  	_ =	strace $0x80000047;
	s4 =	simm.s32 $0x3;
	s3 =	sadd.s32 s3, s19  }
0x7: {  	[tilespmem:s2], [sflag:$0x3] =	stream.linear.gather [hbm4b:s3+s2], $0x200, $0x38;
	[tilespmem:$0xE00] =	vst v63  }
0x8: {  	_ =	swait.ge [sflag:s4], $0x200  }
0x9: {  	[sflag:s4] =	ssyncset.done $0x0  }
0xa: {  	s6 =	simm.s32 $0x200;
	s5 =	sadd.s32 $0x400, s18;
	[sflag:s4] =	ssyncadd.s32 $0xFFFFFE00  }
0xb: {  	[tilespmem:s6], [sflag:$0x1] =	stream.indirect.gather [hbm4b:s5+s6], $0x1, s2, s6, $0xb8;
	[tilespmem:$0xE00] =	vst v63  }
0xc: {  	s8 =	simm.s32 $0x400;
	s7 =	sadd.s32 $0x34D4, s18  }
0xd: {  	[tilespmem:s8], [sflag:$0x1] =	stream.indirect.gather [hbm4b:s7+s6], $0x1, s2, s6, $0xb8;
	[tilespmem:$0xE00] =	vst v63  }
0xe: {  	s10 =	simm.s32 $0x600;
	s9 =	sadd.s32 $0x65A8, s18  }
0xf: {  	[tilespmem:s10], [sflag:$0x1] =	stream.indirect.gather [hbm4b:s9+s6], $0x1, s2, s6, $0xb8;
	[tilespmem:$0xE00] =	vst v63  }
0x10: {  	s12 =	simm.s32 $0x800;
	s11 =	sadd.s32 $0x967C, s18  }
0x11: {  	[tilespmem:s12], [sflag:$0x1] =	stream.indirect.gather [hbm4b:s11+s6], $0x1, s2, s6, $0xb8;
	[tilespmem:$0xE00] =	vst v63  }
0x12: {  	s14 =	simm.s32 $0xA00;
	s13 =	sadd.s32 $0xC750, s18  }
0x13: {  	[tilespmem:s14], [sflag:$0x1] =	stream.indirect.gather [hbm4b:s13+s6], $0x1, s2, s6, $0xb8;
	[tilespmem:$0xE00] =	vst v63  }
0x14: {  	s16 =	simm.s32 $0xC00;
	s17 =	simm.s32 $0x1;
	s15 =	sadd.s32 $0xF824, s18  }
0x15: {  	[tilespmem:s16], [sflag:$0x1] =	stream.indirect.gather [hbm4b:s15+s6], $0x1, s2, s6, $0xb8;
	[tilespmem:$0xE00] =	vst v63  }
0x16: {  	_ =	swait.ge [sflag:s17], $0x200  }
0x17: {  	s23 =	sadd.s32 s19, s18;
	[sflag:s17] =	ssyncset.done $0x0  }
0x18: {  	s18 =	sadd.s32 $0x12A00, s23;
	[sflag:s17] =	ssyncadd.s32 $0xFFFFFE00  }
0x19: {  	[hbm4b:s18+s2] =	stream.linear.scatter [tilespmem:s6], [sflag:$0x2], $0x200, $0x38;
	[tilespmem:$0xE00] =	vst v63  }
0x1a: {  	_ =	swait.ge [sflag:s17], $0x200  }
0x1b: {  	[sflag:s17] =	ssyncset.done $0x0  }
0x1c: {  	s19 =	sadd.s32 $0x13200, s23;
	[sflag:s17] =	ssyncadd.s32 $0xFFFFFE00  }
0x1d: {  	[hbm4b:s19+s2] =	stream.linear.scatter [tilespmem:s8], [sflag:$0x2], $0x200, $0x38;
	[tilespmem:$0xE00] =	vst v63  }
0x1e: {  	_ =	swait.ge [sflag:s17], $0x200  }
0x1f: {  	[sflag:s17] =	ssyncset.done $0x0  }
0x20: {  	s20 =	sadd.s32 $0x13A00, s23;
	[sflag:s17] =	ssyncadd.s32 $0xFFFFFE00  }
0x21: {  	[hbm4b:s20+s2] =	stream.linear.scatter [tilespmem:s10], [sflag:$0x2], $0x200, $0x38;
	[tilespmem:$0xE00] =	vst v63  }
0x22: {  	_ =	swait.ge [sflag:s17], $0x200  }
0x23: {  	[sflag:s17] =	ssyncset.done $0x0  }
0x24: {  	s21 =	sadd.s32 $0x14200, s23;
	[sflag:s17] =	ssyncadd.s32 $0xFFFFFE00  }
0x25: {  	[hbm4b:s21+s2] =	stream.linear.scatter [tilespmem:s12], [sflag:$0x2], $0x200, $0x38;
	[tilespmem:$0xE00] =	vst v63  }
0x26: {  	_ =	swait.ge [sflag:s17], $0x200  }
0x27: {  	[sflag:s17] =	ssyncset.done $0x0  }
0x28: {  	s22 =	sadd.s32 $0x14A00, s23;
	[sflag:s17] =	ssyncadd.s32 $0xFFFFFE00  }
0x29: {  	[hbm4b:s22+s2] =	stream.linear.scatter [tilespmem:s14], [sflag:$0x2], $0x200, $0x38;
	[tilespmem:$0xE00] =	vst v63  }
0x2a: {  	_ =	swait.ge [sflag:s17], $0x200  }
0x2b: {  	[sflag:s17] =	ssyncset.done $0x0  }
0x2c: {  	s24 =	sadd.s32 $0x15200, s23;
	s23 =	simm.s32 $0x2;
	[sflag:s17] =	ssyncadd.s32 $0xFFFFFE00  }
0x2d: {  	[hbm4b:s24+s2] =	stream.linear.scatter [tilespmem:s16], [sflag:$0x2], $0x200, $0x38;
	[tilespmem:$0xE00] =	vst v63  }
0x2e: {  	_ =	swait.ge [sflag:s23], $0x200  }
0x2f: {  	[sflag:s23] =	ssyncset.done $0x0  }
0x30: {  	[sflag:s23] =	ssyncadd.s32 $0xFFFFFE00  }
0x31: {  	_ =	swait.ge [sflag:s23], $0x200  }
0x32: {  	[sflag:s23] =	ssyncset.done $0x0  }
0x33: {  	[sflag:s23] =	ssyncadd.s32 $0xFFFFFE00  }
0x34: {  	_ =	swait.ge [sflag:s23], $0x200  }
0x35: {  	s25 =	ssub.s32 $0x2, s25;
	[sflag:s23] =	ssyncset.done $0x0  }
0x36: {  	s26 =	sshrl.u32 s25, $0x1;
	[sflag:s23] =	ssyncadd.s32 $0xFFFFFE00  }
0x37: {  	s25 =	ssub.s32 s25, s26;
	_ =	swait.ge [sflag:s23], $0x200  }
0x38: {  	s25 =	smax.u32 s25, $0x1;
	[sflag:s23] =	ssyncset.done $0x0  }
0x39: {  	p0 =	sne.s32 s25, $0x1;
	[sflag:s23] =	ssyncadd.s32 $0xFFFFFE00  }
.Ltmp0:
0x3a: {  	_ =	swait.ge [sflag:s23], $0x200;
	(pc) =	sbr.rel @!p0 .LBB2_2-.Ltmp0, $4  }
0x3b: {  	[sflag:s23] =	ssyncset.done $0x0  }
0x3c: {  	[sflag:s23] =	ssyncadd.s32 $0xFFFFFE00  }
0x3d: {  	_ =	swait.ge [sflag:s23], $0x200  }
0x3e: {  	s25 =	sadd.s32 $0xFFFFFFFF, s25;
	[sflag:s23] =	ssyncset.done $0x0  }
.LBB2_1:
0x3f: {  	p0 =	sne.s32 s25, $0x1;
	s25 =	sadd.s32 $0xFFFFFFFF, s25;
	[sflag:s23] =	ssyncadd.s32 $0xFFFFFE00  }
0x40: {  	[tilespmem:s2], [sflag:$0x3] =	stream.linear.gather [hbm4b:s3+s2], $0x200, $0x38;
	[tilespmem:$0xE00] =	vst v63  }
0x41: {  	_ =	swait.ge [sflag:s4], $0x200  }
0x42: {  	[sflag:s4] =	ssyncset.done $0x0  }
0x43: {  	[sflag:s4] =	ssyncadd.s32 $0xFFFFFE00  }
0x44: {  	[tilespmem:s6], [sflag:$0x1] =	stream.indirect.gather [hbm4b:s5+s6], $0x1, s2, s6, $0xb8;
	[tilespmem:$0xE00] =	vst v63  }
0x45: {  	_ = 	snop  }
0x46: {  	[tilespmem:s8], [sflag:$0x1] =	stream.indirect.gather [hbm4b:s7+s6], $0x1, s2, s6, $0xb8;
	[tilespmem:$0xE00] =	vst v63  }
0x47: {  	_ = 	snop  }
0x48: {  	[tilespmem:s10], [sflag:$0x1] =	stream.indirect.gather [hbm4b:s9+s6], $0x1, s2, s6, $0xb8;
	[tilespmem:$0xE00] =	vst v63  }
0x49: {  	_ = 	snop  }
0x4a: {  	[tilespmem:s12], [sflag:$0x1] =	stream.indirect.gather [hbm4b:s11+s6], $0x1, s2, s6, $0xb8;
	[tilespmem:$0xE00] =	vst v63  }
0x4b: {  	_ = 	snop  }
0x4c: {  	[tilespmem:s14], [sflag:$0x1] =	stream.indirect.gather [hbm4b:s13+s6], $0x1, s2, s6, $0xb8;
	[tilespmem:$0xE00] =	vst v63  }
0x4d: {  	_ = 	snop  }
0x4e: {  	[tilespmem:s16], [sflag:$0x1] =	stream.indirect.gather [hbm4b:s15+s6], $0x1, s2, s6, $0xb8;
	[tilespmem:$0xE00] =	vst v63  }
0x4f: {  	_ =	swait.ge [sflag:s17], $0x200  }
0x50: {  	[sflag:s17] =	ssyncset.done $0x0  }
0x51: {  	[sflag:s17] =	ssyncadd.s32 $0xFFFFFE00  }
0x52: {  	[hbm4b:s18+s2] =	stream.linear.scatter [tilespmem:s6], [sflag:$0x2], $0x200, $0x38;
	[tilespmem:$0xE00] =	vst v63  }
0x53: {  	_ =	swait.ge [sflag:s17], $0x200  }
0x54: {  	[sflag:s17] =	ssyncset.done $0x0  }
0x55: {  	[sflag:s17] =	ssyncadd.s32 $0xFFFFFE00  }
0x56: {  	[hbm4b:s19+s2] =	stream.linear.scatter [tilespmem:s8], [sflag:$0x2], $0x200, $0x38;
	[tilespmem:$0xE00] =	vst v63  }
0x57: {  	_ =	swait.ge [sflag:s17], $0x200  }
0x58: {  	[sflag:s17] =	ssyncset.done $0x0  }
0x59: {  	[sflag:s17] =	ssyncadd.s32 $0xFFFFFE00  }
0x5a: {  	[hbm4b:s20+s2] =	stream.linear.scatter [tilespmem:s10], [sflag:$0x2], $0x200, $0x38;
	[tilespmem:$0xE00] =	vst v63  }
0x5b: {  	_ =	swait.ge [sflag:s17], $0x200  }
0x5c: {  	[sflag:s17] =	ssyncset.done $0x0  }
0x5d: {  	[sflag:s17] =	ssyncadd.s32 $0xFFFFFE00  }
0x5e: {  	[hbm4b:s21+s2] =	stream.linear.scatter [tilespmem:s12], [sflag:$0x2], $0x200, $0x38;
	[tilespmem:$0xE00] =	vst v63  }
0x5f: {  	_ =	swait.ge [sflag:s17], $0x200  }
0x60: {  	[sflag:s17] =	ssyncset.done $0x0  }
0x61: {  	[sflag:s17] =	ssyncadd.s32 $0xFFFFFE00  }
0x62: {  	[hbm4b:s22+s2] =	stream.linear.scatter [tilespmem:s14], [sflag:$0x2], $0x200, $0x38;
	[tilespmem:$0xE00] =	vst v63  }
0x63: {  	_ =	swait.ge [sflag:s17], $0x200  }
0x64: {  	[sflag:s17] =	ssyncset.done $0x0  }
0x65: {  	[sflag:s17] =	ssyncadd.s32 $0xFFFFFE00  }
0x66: {  	[hbm4b:s24+s2] =	stream.linear.scatter [tilespmem:s16], [sflag:$0x2], $0x200, $0x38;
	[tilespmem:$0xE00] =	vst v63  }
0x67: {  	_ =	swait.ge [sflag:s23], $0x200  }
0x68: {  	[sflag:s23] =	ssyncset.done $0x0  }
0x69: {  	[sflag:s23] =	ssyncadd.s32 $0xFFFFFE00  }
0x6a: {  	_ =	swait.ge [sflag:s23], $0x200  }
0x6b: {  	[sflag:s23] =	ssyncset.done $0x0  }
0x6c: {  	[sflag:s23] =	ssyncadd.s32 $0xFFFFFE00  }
0x6d: {  	_ =	swait.ge [sflag:s23], $0x200  }
0x6e: {  	[sflag:s23] =	ssyncset.done $0x0  }
0x6f: {  	[sflag:s23] =	ssyncadd.s32 $0xFFFFFE00  }
0x70: {  	_ =	swait.ge [sflag:s23], $0x200  }
0x71: {  	[sflag:s23] =	ssyncset.done $0x0  }
0x72: {  	[sflag:s23] =	ssyncadd.s32 $0xFFFFFE00  }
.Ltmp1:
0x73: {  	_ =	swait.ge [sflag:s23], $0x200;
	(pc) =	sbr.rel @p0 .LBB2_1-.Ltmp1, $4  }
0x74: {  	[sflag:s23] =	ssyncset.done $0x0  }
0x75: {  	[sflag:s23] =	ssyncadd.s32 $0xFFFFFE00  }
0x76: {  	_ =	swait.ge [sflag:s23], $0x200  }
0x77: {  	[sflag:s23] =	ssyncset.done $0x0  }
.LBB2_2:
0x78: {  	[sflag:s23] =	ssyncadd.s32 $0xFFFFFE00  }
0x79: {  	_ =	sfence.sel $0x180000  }
0x7a: {  	[bflag:$0x0] =	sbarrier.arrive $0xFFFF  }
0x7b: {  	p0 =	sne.s32 s1, $0x0;
	_ =	strace $0x90000047  }
0x7c: {  	s0 =	sadd.s32 @!p0 $0x100000, s0;
	[bflag:$0x2] =	sbarrier.arrive $0xFFFF  }
0x7d: {  	[sflag:s0] =	ssyncadd.tile.s32 @!p0 $0x1;
	_ =	shalt  }
.Lfunc_end2:
_tile_overlayer_lowered:
.L_overlay_start_2:
0x7e: {  	(tag) =	ssettag $0x2  }
0x7f: {  	s0 =	rddreg [dreg:$0x0];
	s2 =	stileid.u32  }
0x80: {  	s1 =	rddreg [dreg:$0x1];
	p0 =	sne.s32 s2, $0x0  }
0x81: {  	s3 =	rddreg [dreg:$0x2];
	[bflag:$0x3] =	sbarrier.arrive $0xFFFF;
	s2 =	simm.s32 @!p0 $0x1C03  }
0x82: {  	[timem:s3], [sflag:s2] =	dma.local @!p0 [hbm:s0], s1  }
0x83: {  	s0 =	simm.s32 @!p0 $0x3  }
0x84: {  	_ =	swait.ge @!p0 [sflag:s0], s1  }
0x85: {  	s1 =	ssub.s32 @!p0 $0x0, s1;
	[sflag:s0] =	ssyncset.done @!p0 $0x0  }
0x86: {  	[sflag:s0] =	ssyncadd.s32 @!p0 s1  }
0x87: {  	[bflag:$0x3] =	sbarrier.arrive $0xFFFF  }
0x88: {  	_ =	shalt  }

</sc_bundles>
